<compile_context>
chip_gen: v7x
topology: tpu7x:2x2x1
jax: 0.10.2.dev20260603
libtpu: 0.0.44.dev20260713+nightly
codegen_flags: <defaults>
</compile_context>

<pallas_src>
import functools

import jax
import jax.numpy as jnp
from jax import lax
from jax.experimental import pallas as pl
from jax.experimental.pallas import tpu as pltpu
from jax.experimental.pallas import tpu_sc as plsc

VOCAB = 100000
EMBED = 128
BATCH = 4096

_info = plsc.get_sparse_core_info()
_NC, _NS = _info.num_cores, _info.num_subcores
_NW = _NC * _NS
_BPW = BATCH // _NW
_CHUNKS = (32, 96)
_CH = len(_CHUNKS)


def _make_lookup_kernel():
    mesh = plsc.VectorSubcoreMesh(core_axis_name="c", subcore_axis_name="s")

    @functools.partial(
        pl.kernel,
        mesh=mesh,
        out_type=[
            jax.ShapeDtypeStruct((BATCH, EMBED), jnp.float32),
            jax.ShapeDtypeStruct((BATCH, EMBED), jnp.float32),
        ],
        scratch_types=[
            pltpu.VMEM((_BPW,), jnp.int32),
            pltpu.VMEM((_BPW,), jnp.int32),
            pltpu.VMEM((_BPW, EMBED), jnp.float32),
            pltpu.VMEM((_BPW, EMBED), jnp.float32),
            pltpu.SemaphoreType.DMA,
            pltpu.SemaphoreType.DMA,
        ]
        + [pltpu.SemaphoreType.DMA] * (2 * _CH)
        + [pltpu.SemaphoreType.DMA] * (2 * _CH),
    )
    def lookup(tgt_hbm, ctx_hbm, table_hbm, out_t_hbm, out_c_hbm,
               idx_t, idx_c, rows_t, rows_c, sem_it, sem_ic, *sems):
        g_sems = sems[: 2 * _CH]
        w_sems = sems[2 * _CH:]
        wid = lax.axis_index("s") * _NC + lax.axis_index("c")
        base = wid * _BPW
        ci_t = pltpu.async_copy(tgt_hbm.at[pl.ds(base, _BPW)], idx_t, sem_it)
        ci_c = pltpu.async_copy(ctx_hbm.at[pl.ds(base, _BPW)], idx_c, sem_ic)
        ci_t.wait()
        ci_c.wait()
        plan = []
        off = 0
        for j, cw in enumerate(_CHUNKS):
            for arr, (idx, rows, out) in enumerate(
                    ((idx_t, rows_t, out_t_hbm), (idx_c, rows_c, out_c_hbm))):
                g = pltpu.async_copy(
                    table_hbm.at[idx.at[pl.ds(off, cw)]],
                    rows.at[pl.ds(off, cw)],
                    g_sems[arr * _CH + j])
                plan.append((g, rows, out, off, cw, w_sems[arr * _CH + j]))
            off += cw
        writes = []
        for g, rows, out, off, cw, w_sem in plan:
            g.wait()
            writes.append(pltpu.async_copy(
                rows.at[pl.ds(off, cw)],
                out.at[pl.ds(base + off, cw)],
                w_sem))
        for w in writes:
            w.wait()

    return lookup


_lookup = _make_lookup_kernel()


@jax.jit
def kernel(target_batch, context_batch, embedding_w):
    embedded, embedded_context = _lookup(target_batch, context_batch, embedding_w)
    return embedded, embedded_context

# --- scband reference (transcript-rebuilt; emitter-appended) ---
"""Pipeline reference for scband-word-embedding-65223373357171 (READ-ONLY COPY).

The authoritative reference and input builder live on the scoring server;
editing this copy changes nothing except your own understanding.
"""

import jax, jax.numpy as jnp
import numpy as np

VOCAB = 100000
EMBED = 128
BATCH = 4096

def setup_inputs(seed: int = 0) -> dict:
    key = jax.random.key(seed)
    k1, k2, k3 = jax.random.split(key, 3)
    target_batch = jax.random.randint(k1, (BATCH,), 0, VOCAB, dtype=jnp.int64 if jax.config.jax_enable_x64 else jnp.int32).astype(jnp.int32)
    context_batch = jax.random.randint(k2, (BATCH,), 0, VOCAB, dtype=jnp.int64 if jax.config.jax_enable_x64 else jnp.int32).astype(jnp.int32)
    # embedding_w initialized uniform(-1, 1) per original tf.random_uniform_initializer(-1, 1)
    embedding_w = jax.random.uniform(k3, (VOCAB, EMBED), dtype=jnp.float32, minval=-1.0, maxval=1.0)
    return {"target_batch": target_batch, "context_batch": context_batch, "embedding_w": embedding_w}

def reference(target_batch, context_batch, embedding_w):
    # tf.nn.embedding_lookup(embeddings, target_batch)
    embedded = jnp.take(embedding_w, target_batch, axis=0)
    # tf.nn.embedding_lookup(embeddings, context_batch)
    embedded_context = jnp.take(embedding_w, context_batch, axis=0)
    return embedded, embedded_context

if __name__ == "__main__":
    import jax
    _d = setup_inputs()
    print(jax.jit(kernel)(*tuple(_d.values())))

</pallas_src>

<mosaic_0001>
#map = affine_map<(d0, d1) -> (0)>
#map1 = affine_map<(d0, d1) -> (0, 0)>
module attributes {stable_mosaic.version = 14 : i64} {
  func.func @lookup(%arg0: i32, %arg1: i32, %arg2: memref<4096xi32, #tpu.memory_space<hbm>>, %arg3: memref<4096xi32, #tpu.memory_space<hbm>>, %arg4: memref<100000x128xf32, #tpu.memory_space<hbm>>, %arg5: memref<4096x128xf32, #tpu.memory_space<hbm>>, %arg6: memref<4096x128xf32, #tpu.memory_space<hbm>>, %arg7: memref<128xi32, #tpu.memory_space<vmem>>, %arg8: memref<128xi32, #tpu.memory_space<vmem>>, %arg9: memref<128x128xf32, #tpu.memory_space<vmem>>, %arg10: memref<128x128xf32, #tpu.memory_space<vmem>>, %arg11: memref<!tpu.dma_semaphore, #tpu.memory_space<semaphore_mem>>, %arg12: memref<!tpu.dma_semaphore, #tpu.memory_space<semaphore_mem>>, %arg13: memref<!tpu.dma_semaphore, #tpu.memory_space<semaphore_mem>>, %arg14: memref<!tpu.dma_semaphore, #tpu.memory_space<semaphore_mem>>, %arg15: memref<!tpu.dma_semaphore, #tpu.memory_space<semaphore_mem>>, %arg16: memref<!tpu.dma_semaphore, #tpu.memory_space<semaphore_mem>>, %arg17: memref<!tpu.dma_semaphore, #tpu.memory_space<semaphore_mem>>, %arg18: memref<!tpu.dma_semaphore, #tpu.memory_space<semaphore_mem>>, %arg19: memref<!tpu.dma_semaphore, #tpu.memory_space<semaphore_mem>>, %arg20: memref<!tpu.dma_semaphore, #tpu.memory_space<semaphore_mem>>) attributes {dimension_semantics = [#tpu.dimension_semantics<core_parallel>, #tpu.dimension_semantics<subcore_parallel>], iteration_bounds = array<i64: 2, 16>, scalar_prefetch = 0 : i64, scratch_operands = 14 : i64, tpu.core_type = #tpu.core_type<sc_vector_subcore>, window_params = [{transform_indices = #map}, {transform_indices = #map}, {transform_indices = #map1}, {transform_indices = #map1}, {transform_indices = #map1}]} {
    %mul3A = arith.constant 2 : i32
    %mul3A_0 = arith.muli %arg1, %mul3A : i32
    %add3A = arith.addi %mul3A_0, %arg0 : i32
    %mul3A_1 = arith.constant 128 : i32
    %mul3A_2 = arith.muli %add3A, %mul3A_1 : i32
    %dma_start3A = tpu.memref_slice %arg2[%mul3A_2] : memref<4096xi32, #tpu.memory_space<hbm>> -> memref<128xi32, #tpu.memory_space<hbm>>
    %dma_start3A_3 = tpu.memref_slice %arg2[%mul3A_2] : memref<4096xi32, #tpu.memory_space<hbm>> -> memref<128xi32, #tpu.memory_space<hbm>>
    tpu.enqueue_dma source(%dma_start3A_3 : memref<128xi32, #tpu.memory_space<hbm>>) target(%arg7 : memref<128xi32, #tpu.memory_space<vmem>>) target_semaphore(%arg11 : memref<!tpu.dma_semaphore, #tpu.memory_space<semaphore_mem>>)
    %dma_start3A_4 = tpu.memref_slice %arg3[%mul3A_2] : memref<4096xi32, #tpu.memory_space<hbm>> -> memref<128xi32, #tpu.memory_space<hbm>>
    %dma_start3A_5 = tpu.memref_slice %arg3[%mul3A_2] : memref<4096xi32, #tpu.memory_space<hbm>> -> memref<128xi32, #tpu.memory_space<hbm>>
    tpu.enqueue_dma source(%dma_start3A_5 : memref<128xi32, #tpu.memory_space<hbm>>) target(%arg8 : memref<128xi32, #tpu.memory_space<vmem>>) target_semaphore(%arg12 : memref<!tpu.dma_semaphore, #tpu.memory_space<semaphore_mem>>)
    %dma_wait3A = tpu.memref_slice %arg2[%mul3A_2] : memref<4096xi32, #tpu.memory_space<hbm>> -> memref<128xi32, #tpu.memory_space<hbm>>
    %dma_wait3A_6 = tpu.memref_slice %arg2[%mul3A_2] : memref<4096xi32, #tpu.memory_space<hbm>> -> memref<128xi32, #tpu.memory_space<hbm>>
    tpu.wait_dma2 semaphore(%arg11 : memref<!tpu.dma_semaphore, #tpu.memory_space<semaphore_mem>>) src(%dma_wait3A_6 : memref<128xi32, #tpu.memory_space<hbm>>) dst(%arg7 : memref<128xi32, #tpu.memory_space<vmem>>)
    %dma_wait3A_7 = tpu.memref_slice %arg3[%mul3A_2] : memref<4096xi32, #tpu.memory_space<hbm>> -> memref<128xi32, #tpu.memory_space<hbm>>
    %dma_wait3A_8 = tpu.memref_slice %arg3[%mul3A_2] : memref<4096xi32, #tpu.memory_space<hbm>> -> memref<128xi32, #tpu.memory_space<hbm>>
    tpu.wait_dma2 semaphore(%arg12 : memref<!tpu.dma_semaphore, #tpu.memory_space<semaphore_mem>>) src(%dma_wait3A_8 : memref<128xi32, #tpu.memory_space<hbm>>) dst(%arg8 : memref<128xi32, #tpu.memory_space<vmem>>)
    %dma_start3A_9 = arith.constant 0 : i32
    %dma_start3A_10 = arith.constant 0 : i32
    %dma_start3A_11 = tpu.memref_slice %arg9[%dma_start3A_9, %dma_start3A_10] : memref<128x128xf32, #tpu.memory_space<vmem>> -> memref<32x128xf32, #tpu.memory_space<vmem>>
    %dma_start3A_12 = arith.constant 0 : i32
    %dma_start3A_13 = tpu.memref_slice %arg7[%dma_start3A_12] : memref<128xi32, #tpu.memory_space<vmem>> -> memref<32xi32, #tpu.memory_space<vmem>>
    %dma_start3A_14 = arith.constant 0 : i32
    %dma_start3A_15 = arith.constant 0 : i32
    %dma_start3A_16 = tpu.memref_slice %arg4[%dma_start3A_14, %dma_start3A_15] : memref<100000x128xf32, #tpu.memory_space<hbm>> -> memref<100000x128xf32, #tpu.memory_space<hbm>>
    tpu.enqueue_indirect_dma source(%dma_start3A_16 : memref<100000x128xf32, #tpu.memory_space<hbm>>) target(%dma_start3A_11 : memref<32x128xf32, #tpu.memory_space<vmem>>) offsets(%dma_start3A_13 : memref<32xi32, #tpu.memory_space<vmem>>) semaphore(%arg13 : memref<!tpu.dma_semaphore, #tpu.memory_space<semaphore_mem>>)
    %dma_start3A_17 = arith.constant 0 : i32
    %dma_start3A_18 = arith.constant 0 : i32
    %dma_start3A_19 = tpu.memref_slice %arg10[%dma_start3A_17, %dma_start3A_18] : memref<128x128xf32, #tpu.memory_space<vmem>> -> memref<32x128xf32, #tpu.memory_space<vmem>>
    %dma_start3A_20 = arith.constant 0 : i32
    %dma_start3A_21 = tpu.memref_slice %arg8[%dma_start3A_20] : memref<128xi32, #tpu.memory_space<vmem>> -> memref<32xi32, #tpu.memory_space<vmem>>
    %dma_start3A_22 = arith.constant 0 : i32
    %dma_start3A_23 = arith.constant 0 : i32
    %dma_start3A_24 = tpu.memref_slice %arg4[%dma_start3A_22, %dma_start3A_23] : memref<100000x128xf32, #tpu.memory_space<hbm>> -> memref<100000x128xf32, #tpu.memory_space<hbm>>
    tpu.enqueue_indirect_dma source(%dma_start3A_24 : memref<100000x128xf32, #tpu.memory_space<hbm>>) target(%dma_start3A_19 : memref<32x128xf32, #tpu.memory_space<vmem>>) offsets(%dma_start3A_21 : memref<32xi32, #tpu.memory_space<vmem>>) semaphore(%arg15 : memref<!tpu.dma_semaphore, #tpu.memory_space<semaphore_mem>>)
    %dma_start3A_25 = arith.constant 32 : i32
    %dma_start3A_26 = arith.constant 0 : i32
    %dma_start3A_27 = tpu.memref_slice %arg9[%dma_start3A_25, %dma_start3A_26] : memref<128x128xf32, #tpu.memory_space<vmem>> -> memref<96x128xf32, #tpu.memory_space<vmem>>
    %dma_start3A_28 = arith.constant 32 : i32
    %dma_start3A_29 = tpu.memref_slice %arg7[%dma_start3A_28] : memref<128xi32, #tpu.memory_space<vmem>> -> memref<96xi32, #tpu.memory_space<vmem>>
    %dma_start3A_30 = arith.constant 0 : i32
    %dma_start3A_31 = arith.constant 0 : i32
    %dma_start3A_32 = tpu.memref_slice %arg4[%dma_start3A_30, %dma_start3A_31] : memref<100000x128xf32, #tpu.memory_space<hbm>> -> memref<100000x128xf32, #tpu.memory_space<hbm>>
    tpu.enqueue_indirect_dma source(%dma_start3A_32 : memref<100000x128xf32, #tpu.memory_space<hbm>>) target(%dma_start3A_27 : memref<96x128xf32, #tpu.memory_space<vmem>>) offsets(%dma_start3A_29 : memref<96xi32, #tpu.memory_space<vmem>>) semaphore(%arg14 : memref<!tpu.dma_semaphore, #tpu.memory_space<semaphore_mem>>)
    %dma_start3A_33 = arith.constant 32 : i32
    %dma_start3A_34 = arith.constant 0 : i32
    %dma_start3A_35 = tpu.memref_slice %arg10[%dma_start3A_33, %dma_start3A_34] : memref<128x128xf32, #tpu.memory_space<vmem>> -> memref<96x128xf32, #tpu.memory_space<vmem>>
    %dma_start3A_36 = arith.constant 32 : i32
    %dma_start3A_37 = tpu.memref_slice %arg8[%dma_start3A_36] : memref<128xi32, #tpu.memory_space<vmem>> -> memref<96xi32, #tpu.memory_space<vmem>>
    %dma_start3A_38 = arith.constant 0 : i32
    %dma_start3A_39 = arith.constant 0 : i32
    %dma_start3A_40 = tpu.memref_slice %arg4[%dma_start3A_38, %dma_start3A_39] : memref<100000x128xf32, #tpu.memory_space<hbm>> -> memref<100000x128xf32, #tpu.memory_space<hbm>>
    tpu.enqueue_indirect_dma source(%dma_start3A_40 : memref<100000x128xf32, #tpu.memory_space<hbm>>) target(%dma_start3A_35 : memref<96x128xf32, #tpu.memory_space<vmem>>) offsets(%dma_start3A_37 : memref<96xi32, #tpu.memory_space<vmem>>) semaphore(%arg16 : memref<!tpu.dma_semaphore, #tpu.memory_space<semaphore_mem>>)
    %dma_wait3A_41 = arith.constant 0 : i32
    %dma_wait3A_42 = arith.constant 0 : i32
    %dma_wait3A_43 = tpu.memref_slice %arg9[%dma_wait3A_41, %dma_wait3A_42] : memref<128x128xf32, #tpu.memory_space<vmem>> -> memref<32x128xf32, #tpu.memory_space<vmem>>
    %dma_wait3A_44 = arith.constant 0 : i32
    %dma_wait3A_45 = tpu.memref_slice %arg7[%dma_wait3A_44] : memref<128xi32, #tpu.memory_space<vmem>> -> memref<32xi32, #tpu.memory_space<vmem>>
    %dma_wait3A_46 = arith.constant 0 : i32
    %dma_wait3A_47 = arith.constant 0 : i32
    %dma_wait3A_48 = tpu.memref_slice %arg4[%dma_wait3A_46, %dma_wait3A_47] : memref<100000x128xf32, #tpu.memory_space<hbm>> -> memref<100000x128xf32, #tpu.memory_space<hbm>>
    tpu.wait_indirect_dma semaphore(%arg13 : memref<!tpu.dma_semaphore, #tpu.memory_space<semaphore_mem>>) src(%dma_wait3A_48 : memref<100000x128xf32, #tpu.memory_space<hbm>>) dst(%dma_wait3A_43 : memref<32x128xf32, #tpu.memory_space<vmem>>)
    %add3A_49 = arith.constant 0 : i32
    %add3A_50 = arith.addi %mul3A_2, %add3A_49 : i32
    %dma_start3A_51 = arith.constant 0 : i32
    %dma_start3A_52 = arith.constant 0 : i32
    %dma_start3A_53 = tpu.memref_slice %arg9[%dma_start3A_51, %dma_start3A_52] : memref<128x128xf32, #tpu.memory_space<vmem>> -> memref<32x128xf32, #tpu.memory_space<vmem>>
    %dma_start3A_54 = arith.constant 0 : i32
    %dma_start3A_55 = tpu.memref_slice %arg5[%add3A_50, %dma_start3A_54] : memref<4096x128xf32, #tpu.memory_space<hbm>> -> memref<32x128xf32, #tpu.memory_space<hbm>>
    %dma_start3A_56 = arith.constant 0 : i32
    %dma_start3A_57 = tpu.memref_slice %arg5[%add3A_50, %dma_start3A_56] : memref<4096x128xf32, #tpu.memory_space<hbm>> -> memref<32x128xf32, #tpu.memory_space<hbm>>
    %dma_start3A_58 = arith.constant 0 : i32
    %dma_start3A_59 = arith.constant 0 : i32
    %dma_start3A_60 = tpu.memref_slice %arg9[%dma_start3A_58, %dma_start3A_59] : memref<128x128xf32, #tpu.memory_space<vmem>> -> memref<32x128xf32, #tpu.memory_space<vmem>>
    tpu.enqueue_dma source(%dma_start3A_60 : memref<32x128xf32, #tpu.memory_space<vmem>>) target(%dma_start3A_57 : memref<32x128xf32, #tpu.memory_space<hbm>>) target_semaphore(%arg17 : memref<!tpu.dma_semaphore, #tpu.memory_space<semaphore_mem>>)
    %dma_wait3A_61 = arith.constant 0 : i32
    %dma_wait3A_62 = arith.constant 0 : i32
    %dma_wait3A_63 = tpu.memref_slice %arg10[%dma_wait3A_61, %dma_wait3A_62] : memref<128x128xf32, #tpu.memory_space<vmem>> -> memref<32x128xf32, #tpu.memory_space<vmem>>
    %dma_wait3A_64 = arith.constant 0 : i32
    %dma_wait3A_65 = tpu.memref_slice %arg8[%dma_wait3A_64] : memref<128xi32, #tpu.memory_space<vmem>> -> memref<32xi32, #tpu.memory_space<vmem>>
    %dma_wait3A_66 = arith.constant 0 : i32
    %dma_wait3A_67 = arith.constant 0 : i32
    %dma_wait3A_68 = tpu.memref_slice %arg4[%dma_wait3A_66, %dma_wait3A_67] : memref<100000x128xf32, #tpu.memory_space<hbm>> -> memref<100000x128xf32, #tpu.memory_space<hbm>>
    tpu.wait_indirect_dma semaphore(%arg15 : memref<!tpu.dma_semaphore, #tpu.memory_space<semaphore_mem>>) src(%dma_wait3A_68 : memref<100000x128xf32, #tpu.memory_space<hbm>>) dst(%dma_wait3A_63 : memref<32x128xf32, #tpu.memory_space<vmem>>)
    %add3A_69 = arith.constant 0 : i32
    %add3A_70 = arith.addi %mul3A_2, %add3A_69 : i32
    %dma_start3A_71 = arith.constant 0 : i32
    %dma_start3A_72 = arith.constant 0 : i32
    %dma_start3A_73 = tpu.memref_slice %arg10[%dma_start3A_71, %dma_start3A_72] : memref<128x128xf32, #tpu.memory_space<vmem>> -> memref<32x128xf32, #tpu.memory_space<vmem>>
    %dma_start3A_74 = arith.constant 0 : i32
    %dma_start3A_75 = tpu.memref_slice %arg6[%add3A_70, %dma_start3A_74] : memref<4096x128xf32, #tpu.memory_space<hbm>> -> memref<32x128xf32, #tpu.memory_space<hbm>>
    %dma_start3A_76 = arith.constant 0 : i32
    %dma_start3A_77 = tpu.memref_slice %arg6[%add3A_70, %dma_start3A_76] : memref<4096x128xf32, #tpu.memory_space<hbm>> -> memref<32x128xf32, #tpu.memory_space<hbm>>
    %dma_start3A_78 = arith.constant 0 : i32
    %dma_start3A_79 = arith.constant 0 : i32
    %dma_start3A_80 = tpu.memref_slice %arg10[%dma_start3A_78, %dma_start3A_79] : memref<128x128xf32, #tpu.memory_space<vmem>> -> memref<32x128xf32, #tpu.memory_space<vmem>>
    tpu.enqueue_dma source(%dma_start3A_80 : memref<32x128xf32, #tpu.memory_space<vmem>>) target(%dma_start3A_77 : memref<32x128xf32, #tpu.memory_space<hbm>>) target_semaphore(%arg19 : memref<!tpu.dma_semaphore, #tpu.memory_space<semaphore_mem>>)
    %dma_wait3A_81 = arith.constant 32 : i32
    %dma_wait3A_82 = arith.constant 0 : i32
    %dma_wait3A_83 = tpu.memref_slice %arg9[%dma_wait3A_81, %dma_wait3A_82] : memref<128x128xf32, #tpu.memory_space<vmem>> -> memref<96x128xf32, #tpu.memory_space<vmem>>
    %dma_wait3A_84 = arith.constant 32 : i32
    %dma_wait3A_85 = tpu.memref_slice %arg7[%dma_wait3A_84] : memref<128xi32, #tpu.memory_space<vmem>> -> memref<96xi32, #tpu.memory_space<vmem>>
    %dma_wait3A_86 = arith.constant 0 : i32
    %dma_wait3A_87 = arith.constant 0 : i32
    %dma_wait3A_88 = tpu.memref_slice %arg4[%dma_wait3A_86, %dma_wait3A_87] : memref<100000x128xf32, #tpu.memory_space<hbm>> -> memref<100000x128xf32, #tpu.memory_space<hbm>>
    tpu.wait_indirect_dma semaphore(%arg14 : memref<!tpu.dma_semaphore, #tpu.memory_space<semaphore_mem>>) src(%dma_wait3A_88 : memref<100000x128xf32, #tpu.memory_space<hbm>>) dst(%dma_wait3A_83 : memref<96x128xf32, #tpu.memory_space<vmem>>)
    %add3A_89 = arith.constant 32 : i32
    %add3A_90 = arith.addi %mul3A_2, %add3A_89 : i32
    %dma_start3A_91 = arith.constant 32 : i32
    %dma_start3A_92 = arith.constant 0 : i32
    %dma_start3A_93 = tpu.memref_slice %arg9[%dma_start3A_91, %dma_start3A_92] : memref<128x128xf32, #tpu.memory_space<vmem>> -> memref<96x128xf32, #tpu.memory_space<vmem>>
    %dma_start3A_94 = arith.constant 0 : i32
    %dma_start3A_95 = tpu.memref_slice %arg5[%add3A_90, %dma_start3A_94] : memref<4096x128xf32, #tpu.memory_space<hbm>> -> memref<96x128xf32, #tpu.memory_space<hbm>>
    %dma_start3A_96 = arith.constant 0 : i32
    %dma_start3A_97 = tpu.memref_slice %arg5[%add3A_90, %dma_start3A_96] : memref<4096x128xf32, #tpu.memory_space<hbm>> -> memref<96x128xf32, #tpu.memory_space<hbm>>
    %dma_start3A_98 = arith.constant 32 : i32
    %dma_start3A_99 = arith.constant 0 : i32
    %dma_start3A_100 = tpu.memref_slice %arg9[%dma_start3A_98, %dma_start3A_99] : memref<128x128xf32, #tpu.memory_space<vmem>> -> memref<96x128xf32, #tpu.memory_space<vmem>>
    tpu.enqueue_dma source(%dma_start3A_100 : memref<96x128xf32, #tpu.memory_space<vmem>>) target(%dma_start3A_97 : memref<96x128xf32, #tpu.memory_space<hbm>>) target_semaphore(%arg18 : memref<!tpu.dma_semaphore, #tpu.memory_space<semaphore_mem>>)
    %dma_wait3A_101 = arith.constant 32 : i32
    %dma_wait3A_102 = arith.constant 0 : i32
    %dma_wait3A_103 = tpu.memref_slice %arg10[%dma_wait3A_101, %dma_wait3A_102] : memref<128x128xf32, #tpu.memory_space<vmem>> -> memref<96x128xf32, #tpu.memory_space<vmem>>
    %dma_wait3A_104 = arith.constant 32 : i32
    %dma_wait3A_105 = tpu.memref_slice %arg8[%dma_wait3A_104] : memref<128xi32, #tpu.memory_space<vmem>> -> memref<96xi32, #tpu.memory_space<vmem>>
    %dma_wait3A_106 = arith.constant 0 : i32
    %dma_wait3A_107 = arith.constant 0 : i32
    %dma_wait3A_108 = tpu.memref_slice %arg4[%dma_wait3A_106, %dma_wait3A_107] : memref<100000x128xf32, #tpu.memory_space<hbm>> -> memref<100000x128xf32, #tpu.memory_space<hbm>>
    tpu.wait_indirect_dma semaphore(%arg16 : memref<!tpu.dma_semaphore, #tpu.memory_space<semaphore_mem>>) src(%dma_wait3A_108 : memref<100000x128xf32, #tpu.memory_space<hbm>>) dst(%dma_wait3A_103 : memref<96x128xf32, #tpu.memory_space<vmem>>)
    %add3A_109 = arith.constant 32 : i32
    %add3A_110 = arith.addi %mul3A_2, %add3A_109 : i32
    %dma_start3A_111 = arith.constant 32 : i32
    %dma_start3A_112 = arith.constant 0 : i32
    %dma_start3A_113 = tpu.memref_slice %arg10[%dma_start3A_111, %dma_start3A_112] : memref<128x128xf32, #tpu.memory_space<vmem>> -> memref<96x128xf32, #tpu.memory_space<vmem>>
    %dma_start3A_114 = arith.constant 0 : i32
    %dma_start3A_115 = tpu.memref_slice %arg6[%add3A_110, %dma_start3A_114] : memref<4096x128xf32, #tpu.memory_space<hbm>> -> memref<96x128xf32, #tpu.memory_space<hbm>>
    %dma_start3A_116 = arith.constant 0 : i32
    %dma_start3A_117 = tpu.memref_slice %arg6[%add3A_110, %dma_start3A_116] : memref<4096x128xf32, #tpu.memory_space<hbm>> -> memref<96x128xf32, #tpu.memory_space<hbm>>
    %dma_start3A_118 = arith.constant 32 : i32
    %dma_start3A_119 = arith.constant 0 : i32
    %dma_start3A_120 = tpu.memref_slice %arg10[%dma_start3A_118, %dma_start3A_119] : memref<128x128xf32, #tpu.memory_space<vmem>> -> memref<96x128xf32, #tpu.memory_space<vmem>>
    tpu.enqueue_dma source(%dma_start3A_120 : memref<96x128xf32, #tpu.memory_space<vmem>>) target(%dma_start3A_117 : memref<96x128xf32, #tpu.memory_space<hbm>>) target_semaphore(%arg20 : memref<!tpu.dma_semaphore, #tpu.memory_space<semaphore_mem>>)
    %dma_wait3A_121 = arith.constant 0 : i32
    %dma_wait3A_122 = arith.constant 0 : i32
    %dma_wait3A_123 = tpu.memref_slice %arg9[%dma_wait3A_121, %dma_wait3A_122] : memref<128x128xf32, #tpu.memory_space<vmem>> -> memref<32x128xf32, #tpu.memory_space<vmem>>
    %dma_wait3A_124 = arith.constant 0 : i32
    %dma_wait3A_125 = tpu.memref_slice %arg5[%add3A_50, %dma_wait3A_124] : memref<4096x128xf32, #tpu.memory_space<hbm>> -> memref<32x128xf32, #tpu.memory_space<hbm>>
    %dma_wait3A_126 = arith.constant 0 : i32
    %dma_wait3A_127 = tpu.memref_slice %arg5[%add3A_50, %dma_wait3A_126] : memref<4096x128xf32, #tpu.memory_space<hbm>> -> memref<32x128xf32, #tpu.memory_space<hbm>>
    %dma_wait3A_128 = arith.constant 0 : i32
    %dma_wait3A_129 = arith.constant 0 : i32
    %dma_wait3A_130 = tpu.memref_slice %arg9[%dma_wait3A_128, %dma_wait3A_129] : memref<128x128xf32, #tpu.memory_space<vmem>> -> memref<32x128xf32, #tpu.memory_space<vmem>>
    tpu.wait_dma2 semaphore(%arg17 : memref<!tpu.dma_semaphore, #tpu.memory_space<semaphore_mem>>) src(%dma_wait3A_130 : memref<32x128xf32, #tpu.memory_space<vmem>>) dst(%dma_wait3A_127 : memref<32x128xf32, #tpu.memory_space<hbm>>)
    %dma_wait3A_131 = arith.constant 0 : i32
    %dma_wait3A_132 = arith.constant 0 : i32
    %dma_wait3A_133 = tpu.memref_slice %arg10[%dma_wait3A_131, %dma_wait3A_132] : memref<128x128xf32, #tpu.memory_space<vmem>> -> memref<32x128xf32, #tpu.memory_space<vmem>>
    %dma_wait3A_134 = arith.constant 0 : i32
    %dma_wait3A_135 = tpu.memref_slice %arg6[%add3A_70, %dma_wait3A_134] : memref<4096x128xf32, #tpu.memory_space<hbm>> -> memref<32x128xf32, #tpu.memory_space<hbm>>
    %dma_wait3A_136 = arith.constant 0 : i32
    %dma_wait3A_137 = tpu.memref_slice %arg6[%add3A_70, %dma_wait3A_136] : memref<4096x128xf32, #tpu.memory_space<hbm>> -> memref<32x128xf32, #tpu.memory_space<hbm>>
    %dma_wait3A_138 = arith.constant 0 : i32
    %dma_wait3A_139 = arith.constant 0 : i32
    %dma_wait3A_140 = tpu.memref_slice %arg10[%dma_wait3A_138, %dma_wait3A_139] : memref<128x128xf32, #tpu.memory_space<vmem>> -> memref<32x128xf32, #tpu.memory_space<vmem>>
    tpu.wait_dma2 semaphore(%arg19 : memref<!tpu.dma_semaphore, #tpu.memory_space<semaphore_mem>>) src(%dma_wait3A_140 : memref<32x128xf32, #tpu.memory_space<vmem>>) dst(%dma_wait3A_137 : memref<32x128xf32, #tpu.memory_space<hbm>>)
    %dma_wait3A_141 = arith.constant 32 : i32
    %dma_wait3A_142 = arith.constant 0 : i32
    %dma_wait3A_143 = tpu.memref_slice %arg9[%dma_wait3A_141, %dma_wait3A_142] : memref<128x128xf32, #tpu.memory_space<vmem>> -> memref<96x128xf32, #tpu.memory_space<vmem>>
    %dma_wait3A_144 = arith.constant 0 : i32
    %dma_wait3A_145 = tpu.memref_slice %arg5[%add3A_90, %dma_wait3A_144] : memref<4096x128xf32, #tpu.memory_space<hbm>> -> memref<96x128xf32, #tpu.memory_space<hbm>>
    %dma_wait3A_146 = arith.constant 0 : i32
    %dma_wait3A_147 = tpu.memref_slice %arg5[%add3A_90, %dma_wait3A_146] : memref<4096x128xf32, #tpu.memory_space<hbm>> -> memref<96x128xf32, #tpu.memory_space<hbm>>
    %dma_wait3A_148 = arith.constant 32 : i32
    %dma_wait3A_149 = arith.constant 0 : i32
    %dma_wait3A_150 = tpu.memref_slice %arg9[%dma_wait3A_148, %dma_wait3A_149] : memref<128x128xf32, #tpu.memory_space<vmem>> -> memref<96x128xf32, #tpu.memory_space<vmem>>
    tpu.wait_dma2 semaphore(%arg18 : memref<!tpu.dma_semaphore, #tpu.memory_space<semaphore_mem>>) src(%dma_wait3A_150 : memref<96x128xf32, #tpu.memory_space<vmem>>) dst(%dma_wait3A_147 : memref<96x128xf32, #tpu.memory_space<hbm>>)
    %dma_wait3A_151 = arith.constant 32 : i32
    %dma_wait3A_152 = arith.constant 0 : i32
    %dma_wait3A_153 = tpu.memref_slice %arg10[%dma_wait3A_151, %dma_wait3A_152] : memref<128x128xf32, #tpu.memory_space<vmem>> -> memref<96x128xf32, #tpu.memory_space<vmem>>
    %dma_wait3A_154 = arith.constant 0 : i32
    %dma_wait3A_155 = tpu.memref_slice %arg6[%add3A_110, %dma_wait3A_154] : memref<4096x128xf32, #tpu.memory_space<hbm>> -> memref<96x128xf32, #tpu.memory_space<hbm>>
    %dma_wait3A_156 = arith.constant 0 : i32
    %dma_wait3A_157 = tpu.memref_slice %arg6[%add3A_110, %dma_wait3A_156] : memref<4096x128xf32, #tpu.memory_space<hbm>> -> memref<96x128xf32, #tpu.memory_space<hbm>>
    %dma_wait3A_158 = arith.constant 32 : i32
    %dma_wait3A_159 = arith.constant 0 : i32
    %dma_wait3A_160 = tpu.memref_slice %arg10[%dma_wait3A_158, %dma_wait3A_159] : memref<128x128xf32, #tpu.memory_space<vmem>> -> memref<96x128xf32, #tpu.memory_space<vmem>>
    tpu.wait_dma2 semaphore(%arg20 : memref<!tpu.dma_semaphore, #tpu.memory_space<semaphore_mem>>) src(%dma_wait3A_160 : memref<96x128xf32, #tpu.memory_space<vmem>>) dst(%dma_wait3A_157 : memref<96x128xf32, #tpu.memory_space<hbm>>)
    return
  }
}

</mosaic_0001>

<sc_bundles>
// kernel: kernel.3.cloned.1.call-start
scs
__scs_entry_jumppad:
0x0: {  	(pc) =	sbr.rel $0x88, $3  }
0x1: {  	(tag) =	ssettag $0x0;
	lr =	simm.s32 $0x1  }
0x2: {  	[smem:$0x3F9E] =	sst lr;
	_ =	strace $0xD0000000  }
0x3: {  	_ = 	snop  }
0x4: {  	_ = 	snop  }
0x5: {  	_ = 	snop  }
0x6: {  	_ = 	snop  }
0x7: {  	_ = 	snop  }
__scs_overlays_trampoline_lowered:
0x8: {  	[smem:$0x3FAD] =	sst s0  }
0x9: {  	[smem:$0x3FAE] =	sst s1  }
0xa: {  	[smem:$0x3FAF] =	sst s2  }
0xb: {  	[smem:$0x3FB0] =	sst s3  }
0xc: {  	[smem:$0x3FB1] =	sst s4  }
0xd: {  	[smem:$0x3FB2] =	sst s5  }
0xe: {  	[smem:$0x3FB3] =	sst s6  }
0xf: {  	[smem:$0x3FB4] =	sst s7  }
0x10: {  	[smem:$0x3FB5] =	sst s8  }
0x11: {  	[smem:$0x3FB6] =	sst s9;
	s0 =	simm.s32 @!p0 $0x0  }
0x12: {  	s1 =	sld [smem:$0x3F9C];
	s0 =	simm.s32 @p0 $0x1  }
0x13: {  	[smem:$0x3FB7] =	sst s0;
	s0 =	simm.s32 @!p1 $0x0  }
0x14: {  	s2 =	sld [smem:$0x3F9B];
	s0 =	simm.s32 @p1 $0x1  }
0x15: {  	[smem:$0x3FB8] =	sst s0;
	s0 =	simm.s32 @!p2 $0x0  }
0x16: {  	s3 =	sld [smem:$0x3FDB];
	s0 =	simm.s32 @p2 $0x1  }
0x17: {  	s4 =	simm.s32 $0x1BF5;
	[smem:$0x3FBA] =	sst s0  }
0x18: {  	s0 =	sld [smem:$0x3F9D];
	_ =	swait.ge [sflag:s4], $0x0  }
0x19: {  	s7 =	sld [smem:$0x3F9E]  }
0x1a: {  	s8 =	sadd.s32 $0xFFFFE003, lr  }
0x1b: {  	s9 =	sadd.s32 $0xFFFFFEF7, lr;
	s5 =	simm.s32 $0xFFFFFFFF;
	p2 =	slt.u32 s8, $0xFFFFF086  }
0x1c: {  	p1 =	slt.u32 s9, $0xF7A;
	s5 =	simm.s32 @!p2 $0x0  }
0x1d: {  	s5 =	simm.s32 @p1 $0x1;
	p0 =	seq.s32 s7, s2  }
0x1e: {  	s7 =	smul.u32 @!p0 $0xF7A, s2;
	p2 =	seq.s32 @!p0 s5, $0x0  }
0x1f: {  	s9 =	smul.u32 $0xF7A, s1;
	s8 =	simm.s32 @!p0 $0x1BF5;
	p2 =	por !p2, p0  }
0x20: {  	[sflag:s8] =	ssyncset.s32 @!p0 $0xFFFFF086;
	s6 =	sadd.s32 @!p0 s3, s7;
	s7 =	simm.s32 @!p0 $0x108  }
0x21: {  	s3 =	sadd.s32 s3, s9;
	s6 =	sadd.s32 @!p0 $0x88, s6;
	s7 =	simm.s32 @p2 $0x1082  }
0x22: {  	[simem:s7], [sflag:s8] =	dma.local @!p0 [hbm:s6], $0xF7A  }
0x23: {  	s9 =	sor.u32 $0xD0000000, s2;
	s6 =	simm.s32 $0x108;
	_ =	swait.ge @!p0 [sflag:s8], $0x0  }
0x24: {  	s3 =	sadd.s32 $0x88, s3;
	s6 =	simm.s32 @!p1 $0x1082;
	[sflag:s4] =	ssyncset.s32 $0xFFFFF086  }
0x25: {  	[simem:s6], [sflag:s4] =	dma.local [hbm:s3], $0xF7A  }
0x26: {  	[smem:$0x3F9E] =	sst s1;
	(tag) =	ssettag s2;
	_ =	strace s9  }
0x27: {  	s1 =	sld [smem:$0x3FAE]  }
0x28: {  	s2 =	sld [smem:$0x3FAF]  }
0x29: {  	s4 =	sld [smem:$0x3FB1]  }
0x2a: {  	p0 =	seq.s32 s5, $0x0;
	s5 =	sld [smem:$0x3FB2]  }
0x2b: {  	s6 =	sld [smem:$0x3FB3]  }
0x2c: {  	s7 =	sld [smem:$0x3FB4]  }
0x2d: {  	s3 =	simm.s32 $0x108;
	s8 =	sld [smem:$0x3FB5]  }
0x2e: {  	s3 =	simm.s32 @!p0 $0x1082;
	s9 =	sld [smem:$0x3FB6]  }
0x2f: {  	lr =	sadd.s32 s0, s3;
	s0 =	sld [smem:$0x3FAD]  }
0x30: {  	s3 =	sld [smem:$0x3FB0]  }
0x31: {  	[smem:$0x3FB9] =	sst s10  }
0x32: {  	s10 =	sld [smem:$0x3FB7];
	_ =	sdelay $0x3  }
0x33: {  	p0 =	seq.s32 s10, $0x1;
	s10 =	sld [smem:$0x3FB9];
	_ =	sdelay $0x3  }
0x34: {  	[smem:$0x3FB9] =	sst s10  }
0x35: {  	s10 =	sld [smem:$0x3FB8];
	_ =	sdelay $0x3  }
0x36: {  	p1 =	seq.s32 s10, $0x1;
	s10 =	sld [smem:$0x3FB9];
	_ =	sdelay $0x3  }
0x37: {  	[smem:$0x3FB9] =	sst s10  }
0x38: {  	s10 =	sld [smem:$0x3FBA]  }
0x39: {  	_ = 	snop;
	(pc) =	sbr.ind lr, $3  }
0x3a: {  	_ = 	snop  }
0x3b: {  	_ = 	snop  }
0x3c: {  	p2 =	seq.s32 s10, $0x1;
	s10 =	sld [smem:$0x3FB9]  }
0x3d: {  	_ =	shalt  }
0x3e: {  	_ =	shalt  }
0x3f: {  	_ =	shalt  }
0x40: {  	_ =	shalt  }
0x41: {  	_ =	shalt  }
0x42: {  	_ =	shalt  }
0x43: {  	_ =	shalt  }
0x44: {  	_ =	shalt  }
0x45: {  	_ =	shalt  }
0x46: {  	_ =	shalt  }
0x47: {  	_ =	shalt  }
0x48: {  	_ =	shalt  }
0x49: {  	_ =	shalt  }
0x4a: {  	_ =	shalt  }
0x4b: {  	_ =	shalt  }
0x4c: {  	_ =	shalt  }
0x4d: {  	_ =	shalt  }
0x4e: {  	_ =	shalt  }
0x4f: {  	_ =	shalt  }
0x50: {  	_ =	shalt  }
0x51: {  	_ =	shalt  }
0x52: {  	_ =	shalt  }
0x53: {  	_ =	shalt  }
0x54: {  	_ =	shalt  }
0x55: {  	_ =	shalt  }
0x56: {  	_ =	shalt  }
0x57: {  	_ =	shalt  }
0x58: {  	_ =	shalt  }
0x59: {  	_ =	shalt  }
0x5a: {  	_ =	shalt  }
0x5b: {  	_ =	shalt  }
0x5c: {  	_ =	shalt  }
0x5d: {  	_ =	shalt  }
0x5e: {  	_ =	shalt  }
0x5f: {  	_ =	shalt  }
0x60: {  	_ =	shalt  }
0x61: {  	_ =	shalt  }
0x62: {  	_ =	shalt  }
0x63: {  	_ =	shalt  }
0x64: {  	_ =	shalt  }
0x65: {  	_ =	shalt  }
0x66: {  	_ =	shalt  }
0x67: {  	_ =	shalt  }
0x68: {  	_ =	shalt  }
0x69: {  	_ =	shalt  }
0x6a: {  	_ =	shalt  }
0x6b: {  	_ =	shalt  }
0x6c: {  	_ =	shalt  }
0x6d: {  	_ =	shalt  }
0x6e: {  	_ =	shalt  }
0x6f: {  	_ =	shalt  }
0x70: {  	_ =	shalt  }
0x71: {  	_ =	shalt  }
0x72: {  	_ =	shalt  }
0x73: {  	_ =	shalt  }
0x74: {  	_ =	shalt  }
0x75: {  	_ =	shalt  }
0x76: {  	_ =	shalt  }
0x77: {  	_ =	shalt  }
0x78: {  	_ =	shalt  }
0x79: {  	_ =	shalt  }
0x7a: {  	_ =	shalt  }
0x7b: {  	_ =	shalt  }
0x7c: {  	_ =	shalt  }
0x7d: {  	_ =	shalt  }
0x7e: {  	_ =	shalt  }
0x7f: {  	_ =	shalt  }
0x80: {  	_ =	shalt  }
0x81: {  	_ =	shalt  }
0x82: {  	_ =	shalt  }
0x83: {  	_ =	shalt  }
0x84: {  	_ =	shalt  }
0x85: {  	_ =	shalt  }
0x86: {  	_ =	shalt  }
0x87: {  	_ =	shalt  }
.Lfunc_end0:
.L_simem_size_0:
called_computation_lowered:
.L_overlay_start_0:
0x88: {  	s2 =	sld [smem:$0x3FD9]  }
0x89: {  	s3 =	sld [smem:$0x3FFE];
	_ =	sdelay $0x1  }
0x8a: {  	s1 =	srdreg.scid  }
0x8b: {  	s0 =	sand.u32 $0x1, s1  }
0x8c: {  	s15 =	sshll.u32 s0, $0xA;
	s2 =	sadd.s32 s3, s2  }
0x8d: {  	s2 =	sadd.s32 s2, s15  }
0x8e: {  	[smem:$0x3FC5] =	sst s2  }
0x8f: {  	_ = 	snop  }
0x90: {  	s2 =	sld [smem:$0x3FD0]  }
0x91: {  	s16 =	sld [smem:$0x3FC9]  }
0x92: {  	s4 =	sld [smem:$0x3FC8]  }
0x93: {  	s6 =	simm.s32 $0xA;
	s7 =	simm.s32 $0x10;
	s5 =	sld [smem:$0x3FC7]  }
0x94: {  	[smem:s7], [sflag:s6] =	dma.local [hbm:s2], $0x1  }
0x95: {  	_ =	swait.eq [sflag:s6], $0x1  }
0x96: {  	[sflag:s6] =	ssyncset.done $0x0  }
0x97: {  	s17 =	sld [smem:$0x10];
	[sflag:s6] =	ssyncadd.s32 $0xFFFFFFFF  }
0x98: {  	s18 =	sld [smem:$0x11];
	(tm) =	ssettm $0x1  }
0x99: {  	s19 =	sld [smem:$0x3FFB];
	_ =	sdelay $0x3  }
0x9a: {  	_ =	strace s19  }
0x9b: {  	s7 =	sld [smem:$0x3FFC];
	_ =	sdelay $0x3  }
0x9c: {  	_ =	strace s7  }
0x9d: {  	s7 =	sld [smem:$0x3FFD];
	_ =	sdelay $0x3  }
0x9e: {  	_ =	strace s7  }
0x9f: {  	_ =	strace $0x8FFFFFFF  }
0xa0: {  	s20 =	sld [smem:$0x3FDB];
	_ =	sdelay $0x1  }
0xa1: {  	s8 =	simm.s32 $_scs_section_size  }
0xa2: {  	s9 =	simm.s32 $_size__tile_overlayer_lowered;
	s10 =	simm.s32 $_tile_overlayer_lowered  }
0xa3: {  	s23 =	simm.s32 $0x1BFF;
	s22 =	sshll.u32 s10, $0x1;
	s7 =	sadd.s32 s8, s20  }
0xa4: {  	s11 =	simm.s32 $0x0;
	s21 =	sshll.u32 s9, $0x1;
	s9 =	sadd.s32 s22, s7  }
0xa5: {  	[timem:s11], [sflag:s23] =	dma.local [hbm:s9], s21  }
0xa6: {  	_ =	swait.ge [sflag:s23], s21  }
0xa7: {  	s8 =	ssub.s32 $0x0, s21;
	[sflag:s23] =	ssyncset.done $0x0  }
0xa8: {  	[sflag:s23] =	ssyncadd.s32 s8;
	_ =	sdelay $0x1  }
0xa9: {  	s24 =	simm.s32 $0x1B8B  }
0xaa: {  	_ =	swait.ge [sflag:s24], $0x1  }
0xab: {  	[sflag:s24] =	ssyncset.done $0x0  }
0xac: {  	s25 =	simm.s32 $0x1B8E;
	[sflag:s24] =	ssyncadd.s32 $0xFFFFFFFF  }
0xad: {  	s26 =	simm.s32 $execute0_lowered;
	[smem:$0x3FD2] =	sst s25  }
0xae: {  	s8 =	sshll.u32 s26, $0x1;
	_ =	strace $0x80000046;
	[dreg:$0x1] =	wrdreg $0xFFFFFFFF  }
0xaf: {  	s28 =	simm.s32 $_size_execute0_lowered;
	s7 =	sadd.s32 s7, s8;
	[dreg:$0x0] =	wrdreg $0x0  }
0xb0: {  	s8 =	sshll.u32 s28, $0x1;
	[dreg:$0x2] =	wrdreg s7  }
0xb1: {  	[dreg:$0x3] =	wrdreg s8  }
0xb2: {  	[dreg:$0x4] =	wrdreg $0xC0  }
0xb3: {  	_ =	task [dreg:s11], $0x5FFFF  }
0xb4: {  	[dreg:$0x1] =	wrdreg $0xFFFFFFFF  }
0xb5: {  	[dreg:$0x0] =	wrdreg $0x60  }
0xb6: {  	[dreg:$0x2] =	wrdreg s16  }
0xb7: {  	[dreg:$0x3] =	wrdreg s4  }
0xb8: {  	[dreg:$0x4] =	wrdreg s5  }
0xb9: {  	[dreg:$0x5] =	wrdreg s17  }
0xba: {  	[dreg:$0x6] =	wrdreg s18  }
0xbb: {  	[dreg:$0x7] =	wrdreg $0x9  }
0xbc: {  	_ =	task.clear_ibuf [dreg:s11], $0x8FFFF;
	_ =	strace $0x90000046  }
0xbd: {  	s29 =	simm.s32 $0x9;
	_ =	strace $0x80000048  }
0xbe: {  	_ =	swait.ge [sflag:s29], $0x1  }
0xbf: {  	[sflag:s29] =	ssyncadd.s32 $0xFFFFFFFF  }
0xc0: {  	_ =	strace $0x90000048  }
0xc1: {  	_ =	sfence  }
0xc2: {  	s30 =	sld [smem:$0x0];
	_ =	sdelay $0x2  }
0xc3: {  	s31 =	sshll.u32 s1, $0xD;
	s1 =	sshrl.u32 s1, $0x2  }
0xc4: {  	s3 =	sand.u32 $0x4000, s31;
	s1 =	sadd.s32 s1, s30  }
0xc5: {  	s0 =	sor.u32 s3, s0;
	s1 =	sshll.u32 s1, $0x11  }
0xc6: {  	s0 =	sor.u32 s1, s0  }
0xc7: {  	s0 =	sadd.s32 $0x8F2B, s0  }
0xc8: {  	[sflag:s0] =	ssyncadd.remote.s32 $0x1  }
0xc9: {  	_ =	sfence.sel $0xFFFF  }
0xca: {  	[dreg:$0x0] =	wrdreg $0xFFFFFFFF;
	(pc) =	sbr.abs _section_cstart, $3  }
0xcb: {  	[dreg:$0x1] =	wrdreg $0xFFFFFFFF  }
0xcc: {  	_ =	task.clear_ibuf [dreg:s11], $0x2FFFF;
	_ =	strace $0x9FFFFFFF  }
0xcd: {  	(tm) =	ssettm $0x7FFFFFFF  }
tec
execute0_lowered:
.L_overlay_start_1:
0x0: {  	(tag) =	ssettag $0x1  }
0x1: {  	s4 =	rddreg [dreg:$0x0]  }
0x2: {  	s5 =	rddreg [dreg:$0x1];
	s2 =	srdreg.scid  }
0x3: {  	s1 =	rddreg [dreg:$0x2];
	s0 =	stileid.u32;
	s26 =	sand.u32 $0x1, s2  }
0x4: {  	s21 =	rddreg [dreg:$0x3];
	s6 =	sshll.u32 s0, $0x8;
	s7 =	sshll.u32 s26, $0x7  }
0x5: {  	s23 =	rddreg [dreg:$0x4];
	s3 =	simm.s32 $0x0;
	s17 =	sor.u32 s7, s6  }
0x6: {  	[smem:$0x7FF] =	sst s3;
	s6 =	sshrl.u32 s17, $0x3  }
0x7: {  	s2 =	rddreg [dreg:$0x5];
	_ =	strace $0x80000047;
	s4 =	sadd.s32 s4, s6  }
0x8: {  	[tilespmem:s3], [sflag:$0x1] =	stream.linear.gather [hbm4b:s4+s3], $0x80, $0x38;
	[tilespmem:$0x8100] =	vst v63  }
0x9: {  	s7 =	simm.s32 $0x1;
	s5 =	sadd.s32 s5, s6;
	s6 =	simm.s32 $0x80  }
0xa: {  	[tilespmem:s6], [sflag:$0x2] =	stream.linear.gather [hbm4b:s5+s3], $0x80, $0x38;
	[tilespmem:$0x8100] =	vst v63  }
0xb: {  	_ =	swait.ge [sflag:s7], $0x80  }
0xc: {  	[sflag:s7] =	ssyncset.done $0x0  }
0xd: {  	s8 =	simm.s32 $0x2;
	[sflag:s7] =	ssyncadd.s32 $0xFFFFFF80  }
0xe: {  	_ =	swait.ge [sflag:s8], $0x80  }
0xf: {  	[sflag:s8] =	ssyncset.done $0x0  }
0x10: {  	s9 =	simm.s32 $0x20;
	s10 =	simm.s32 $0x100;
	[sflag:s8] =	ssyncadd.s32 $0xFFFFFF80  }
0x11: {  	[tilespmem:s10], [sflag:$0x3] =	stream.indirect.gather [hbm4b:s1+s9], $0x80, s3, s9, $0xb8;
	[tilespmem:$0x8100] =	vst v63  }
0x12: {  	s11 =	simm.s32 $0x4100  }
0x13: {  	[tilespmem:s11], [sflag:$0x5] =	stream.indirect.gather [hbm4b:s1+s9], $0x80, s6, s9, $0xb8;
	[tilespmem:$0x8100] =	vst v63  }
0x14: {  	s12 =	simm.s32 $0x60;
	s13 =	simm.s32 $0x1100  }
0x15: {  	[tilespmem:s13], [sflag:$0x4] =	stream.indirect.gather [hbm4b:s1+s12], $0x80, s9, s12, $0xb8;
	[tilespmem:$0x8100] =	vst v63  }
0x16: {  	s14 =	simm.s32 $0xA0;
	s15 =	simm.s32 $0x5100;
	s16 =	simm.s32 $0x3  }
0x17: {  	[tilespmem:s15], [sflag:$0x6] =	stream.indirect.gather [hbm4b:s1+s12], $0x80, s14, s12, $0xb8;
	[tilespmem:$0x8100] =	vst v63  }
0x18: {  	_ =	swait.ge [sflag:s16], $0x1000  }
0x19: {  	s22 =	sshll.u32 s17, $0x4;
	[sflag:s16] =	ssyncset.done $0x0  }
0x1a: {  	s18 =	simm.s32 $0x5;
	s17 =	sadd.s32 s21, s22;
	[sflag:s16] =	ssyncadd.s32 $0xFFFFF000  }
0x1b: {  	[hbm4b:s17+s3] =	stream.linear.scatter [tilespmem:s10], [sflag:$0x7], $0x1000, $0x38;
	[tilespmem:$0x8100] =	vst v63  }
0x1c: {  	_ =	swait.ge [sflag:s18], $0x1000  }
0x1d: {  	[sflag:s18] =	ssyncset.done $0x0  }
0x1e: {  	s20 =	simm.s32 $0x4;
	s19 =	sadd.s32 s23, s22;
	[sflag:s18] =	ssyncadd.s32 $0xFFFFF000  }
0x1f: {  	[hbm4b:s19+s3] =	stream.linear.scatter [tilespmem:s11], [sflag:$0x9], $0x1000, $0x38;
	[tilespmem:$0x8100] =	vst v63  }
0x20: {  	_ =	swait.ge [sflag:s20], $0x3000  }
0x21: {  	s24 =	sor.u32 $0x200, s22;
	[sflag:s20] =	ssyncset.done $0x0  }
0x22: {  	s22 =	simm.s32 $0x6;
	s21 =	sadd.s32 s21, s24;
	[sflag:s20] =	ssyncadd.s32 $0xFFFFD000  }
0x23: {  	[hbm4b:s21+s3] =	stream.linear.scatter [tilespmem:s13], [sflag:$0x8], $0x3000, $0x38;
	[tilespmem:$0x8100] =	vst v63  }
0x24: {  	_ =	swait.ge [sflag:s22], $0x3000  }
0x25: {  	[sflag:s22] =	ssyncset.done $0x0  }
0x26: {  	s23 =	sadd.s32 s23, s24;
	s24 =	simm.s32 $0x7;
	[sflag:s22] =	ssyncadd.s32 $0xFFFFD000  }
0x27: {  	[hbm4b:s23+s3] =	stream.linear.scatter [tilespmem:s15], [sflag:$0xA], $0x3000, $0x38;
	[tilespmem:$0x8100] =	vst v63  }
0x28: {  	_ =	swait.ge [sflag:s24], $0x1000  }
0x29: {  	s28 =	ssub.s32 $0x2, s26;
	[sflag:s24] =	ssyncset.done $0x0  }
0x2a: {  	s25 =	simm.s32 $0x9;
	s29 =	sshrl.u32 s28, $0x1;
	[sflag:s24] =	ssyncadd.s32 $0xFFFFF000  }
0x2b: {  	s28 =	ssub.s32 s28, s29;
	_ =	swait.ge [sflag:s25], $0x1000  }
0x2c: {  	s29 =	smax.u32 s28, $0x1;
	[sflag:s25] =	ssyncset.done $0x0  }
0x2d: {  	s26 =	simm.s32 $0x8;
	p0 =	sne.s32 s29, $0x1;
	[sflag:s25] =	ssyncadd.s32 $0xFFFFF000  }
.Ltmp0:
0x2e: {  	_ =	swait.ge [sflag:s26], $0x3000;
	(pc) =	sbr.rel @!p0 .LBB2_2-.Ltmp0, $4  }
0x2f: {  	[sflag:s26] =	ssyncset.done $0x0  }
0x30: {  	s28 =	simm.s32 $0xA;
	[sflag:s26] =	ssyncadd.s32 $0xFFFFD000  }
0x31: {  	_ =	swait.ge [sflag:s28], $0x3000  }
0x32: {  	s29 =	sadd.s32 $0xFFFFFFFF, s29;
	[sflag:s28] =	ssyncset.done $0x0  }
.LBB2_1:
0x33: {  	p0 =	sne.s32 s29, $0x1;
	s29 =	sadd.s32 $0xFFFFFFFF, s29;
	[sflag:s28] =	ssyncadd.s32 $0xFFFFD000  }
0x34: {  	[tilespmem:s3], [sflag:$0x1] =	stream.linear.gather [hbm4b:s4+s3], $0x80, $0x38;
	[tilespmem:$0x8100] =	vst v63  }
0x35: {  	_ = 	snop  }
0x36: {  	[tilespmem:s6], [sflag:$0x2] =	stream.linear.gather [hbm4b:s5+s3], $0x80, $0x38;
	[tilespmem:$0x8100] =	vst v63  }
0x37: {  	_ =	swait.ge [sflag:s7], $0x80  }
0x38: {  	[sflag:s7] =	ssyncset.done $0x0  }
0x39: {  	[sflag:s7] =	ssyncadd.s32 $0xFFFFFF80  }
0x3a: {  	_ =	swait.ge [sflag:s8], $0x80  }
0x3b: {  	[sflag:s8] =	ssyncset.done $0x0  }
0x3c: {  	[sflag:s8] =	ssyncadd.s32 $0xFFFFFF80  }
0x3d: {  	[tilespmem:s10], [sflag:$0x3] =	stream.indirect.gather [hbm4b:s1+s9], $0x80, s3, s9, $0xb8;
	[tilespmem:$0x8100] =	vst v63  }
0x3e: {  	_ = 	snop  }
0x3f: {  	[tilespmem:s11], [sflag:$0x5] =	stream.indirect.gather [hbm4b:s1+s9], $0x80, s6, s9, $0xb8;
	[tilespmem:$0x8100] =	vst v63  }
0x40: {  	_ = 	snop  }
0x41: {  	[tilespmem:s13], [sflag:$0x4] =	stream.indirect.gather [hbm4b:s1+s12], $0x80, s9, s12, $0xb8;
	[tilespmem:$0x8100] =	vst v63  }
0x42: {  	_ = 	snop  }
0x43: {  	[tilespmem:s15], [sflag:$0x6] =	stream.indirect.gather [hbm4b:s1+s12], $0x80, s14, s12, $0xb8;
	[tilespmem:$0x8100] =	vst v63  }
0x44: {  	_ =	swait.ge [sflag:s16], $0x1000  }
0x45: {  	[sflag:s16] =	ssyncset.done $0x0  }
0x46: {  	[sflag:s16] =	ssyncadd.s32 $0xFFFFF000  }
0x47: {  	[hbm4b:s17+s3] =	stream.linear.scatter [tilespmem:s10], [sflag:$0x7], $0x1000, $0x38;
	[tilespmem:$0x8100] =	vst v63  }
0x48: {  	_ =	swait.ge [sflag:s18], $0x1000  }
0x49: {  	[sflag:s18] =	ssyncset.done $0x0  }
0x4a: {  	[sflag:s18] =	ssyncadd.s32 $0xFFFFF000  }
0x4b: {  	[hbm4b:s19+s3] =	stream.linear.scatter [tilespmem:s11], [sflag:$0x9], $0x1000, $0x38;
	[tilespmem:$0x8100] =	vst v63  }
0x4c: {  	_ =	swait.ge [sflag:s20], $0x3000  }
0x4d: {  	[sflag:s20] =	ssyncset.done $0x0  }
0x4e: {  	[sflag:s20] =	ssyncadd.s32 $0xFFFFD000  }
0x4f: {  	[hbm4b:s21+s3] =	stream.linear.scatter [tilespmem:s13], [sflag:$0x8], $0x3000, $0x38;
	[tilespmem:$0x8100] =	vst v63  }
0x50: {  	_ =	swait.ge [sflag:s22], $0x3000  }
0x51: {  	[sflag:s22] =	ssyncset.done $0x0  }
0x52: {  	[sflag:s22] =	ssyncadd.s32 $0xFFFFD000  }
0x53: {  	[hbm4b:s23+s3] =	stream.linear.scatter [tilespmem:s15], [sflag:$0xA], $0x3000, $0x38;
	[tilespmem:$0x8100] =	vst v63  }
0x54: {  	_ =	swait.ge [sflag:s24], $0x1000  }
0x55: {  	[sflag:s24] =	ssyncset.done $0x0  }
0x56: {  	[sflag:s24] =	ssyncadd.s32 $0xFFFFF000  }
0x57: {  	_ =	swait.ge [sflag:s25], $0x1000  }
0x58: {  	[sflag:s25] =	ssyncset.done $0x0  }
0x59: {  	[sflag:s25] =	ssyncadd.s32 $0xFFFFF000  }
.Ltmp1:
0x5a: {  	_ =	swait.ge [sflag:s26], $0x3000;
	(pc) =	sbr.rel @p0 .LBB2_1-.Ltmp1, $4  }
0x5b: {  	[sflag:s26] =	ssyncset.done $0x0  }
0x5c: {  	[sflag:s26] =	ssyncadd.s32 $0xFFFFD000  }
0x5d: {  	_ =	swait.ge [sflag:s28], $0x3000  }
0x5e: {  	[sflag:s28] =	ssyncset.done $0x0  }
.LBB2_2:
0x5f: {  	[sflag:s28] =	ssyncadd.s32 $0xFFFFD000  }
0x60: {  	_ =	sfence.sel $0x180000  }
0x61: {  	[bflag:$0x0] =	sbarrier.arrive $0xFFFF  }
0x62: {  	p0 =	sne.s32 s0, $0x0;
	_ =	strace $0x90000047  }
0x63: {  	s0 =	sadd.s32 @!p0 $0x100000, s2;
	[bflag:$0x2] =	sbarrier.arrive $0xFFFF  }
0x64: {  	[sflag:s0] =	ssyncadd.tile.s32 @!p0 $0x1;
	_ =	shalt  }
.Lfunc_end2:
_tile_overlayer_lowered:
.L_overlay_start_2:
0x65: {  	(tag) =	ssettag $0x2  }
0x66: {  	s0 =	rddreg [dreg:$0x0];
	s2 =	stileid.u32  }
0x67: {  	s1 =	rddreg [dreg:$0x1];
	p0 =	sne.s32 s2, $0x0  }
0x68: {  	s3 =	rddreg [dreg:$0x2];
	[bflag:$0x3] =	sbarrier.arrive $0xFFFF;
	s2 =	simm.s32 @!p0 $0x1C0B  }
0x69: {  	[timem:s3], [sflag:s2] =	dma.local @!p0 [hbm:s0], s1  }
0x6a: {  	s0 =	simm.s32 @!p0 $0xB  }
0x6b: {  	_ =	swait.ge @!p0 [sflag:s0], s1  }
0x6c: {  	s1 =	ssub.s32 @!p0 $0x0, s1;
	[sflag:s0] =	ssyncset.done @!p0 $0x0  }
0x6d: {  	[sflag:s0] =	ssyncadd.s32 @!p0 s1  }
0x6e: {  	[bflag:$0x3] =	sbarrier.arrive $0xFFFF  }
0x6f: {  	_ =	shalt  }

</sc_bundles>
